<compile_context>
chip_gen: v7x
topology: tpu7x:2x2x1
jax: 0.10.2.dev20260603
libtpu: 0.0.44.dev20260713+nightly
codegen_flags: <defaults>
</compile_context>

<pallas_src>
import jax
import jax.numpy as jnp
from jax.experimental import pallas as pl
from jax.experimental.pallas import tpu as pltpu

_OH = 7
_OW = 7


def _roi_body(bounds_ref, feat_ref, out_ref, tx_ref):
    pb = pl.program_id(0)
    pn = pl.program_id(1)
    h = feat_ref.shape[2]

    @pl.when(pn == 0)
    def _build():
        t0 = feat_ref[0]
        t1 = jnp.maximum(t0, jnp.concatenate([t0[1:], t0[-1:]], axis=0))
        t2 = jnp.maximum(t1, jnp.concatenate([t1[2:], t1[-2:]], axis=0))
        tx_ref[0] = t0
        tx_ref[1] = t1
        tx_ref[2] = t2

    cms = []
    for jj in range(_OW):
        xs = bounds_ref[pb, pn, jj]
        xb = bounds_ref[pb, pn, _OW + jj]
        kx = bounds_ref[pb, pn, 2 * _OW + jj]
        cms.append(jnp.maximum(tx_ref[kx, xs], tx_ref[kx, xb]))
    cmall = jnp.concatenate(cms, axis=-1)

    neg = jnp.array(-jnp.inf, dtype=cmall.dtype)
    zero = jnp.array(0.0, dtype=cmall.dtype)
    ridx = jax.lax.broadcasted_iota(jnp.int32, (h, 1), 0)
    vflag = bounds_ref[pb, pn, 5 * _OW]
    for ii in range(_OH):
        ys = bounds_ref[pb, pn, 3 * _OW + ii]
        ye = bounds_ref[pb, pn, 4 * _OW + ii]
        rm = (ridx >= ys) & (ridx < ye)
        row = jnp.max(jnp.where(rm, cmall, neg), axis=0)
        out_ref[0, 0, ii, :] = jnp.where(vflag > 0, row, zero)


def kernel(features, rois):
    b, c, h, w = features.shape
    n = rois.shape[1]

    x1 = jnp.maximum(0, (rois[..., 0] * w).astype(jnp.int32))
    y1 = jnp.maximum(0, (rois[..., 1] * h).astype(jnp.int32))
    x2 = jnp.minimum(w - 1, (rois[..., 2] * w).astype(jnp.int32))
    y2 = jnp.minimum(h - 1, (rois[..., 3] * h).astype(jnp.int32))
    valid = (x2 >= x1) & (y2 >= y1)
    rw = x2 - x1 + 1
    rh = y2 - y1 + 1
    jj = jnp.arange(_OW)
    ii = jnp.arange(_OH)
    xs = x1[..., None] + (jj * rw[..., None]) // _OW
    xe = x1[..., None] + -((-(jj + 1) * rw[..., None]) // _OW)
    ys = y1[..., None] + (ii * rh[..., None]) // _OH
    ye = y1[..., None] + -((-(ii + 1) * rh[..., None]) // _OH)
    lenx = jnp.maximum(xe - xs, 1)
    kx = (lenx >= 2).astype(jnp.int32) + (lenx >= 4).astype(jnp.int32)
    xb = xe - jnp.left_shift(1, kx)
    xs_c = jnp.clip(xs, 0, w - 1)
    xb_c = jnp.clip(xb, 0, w - 1)
    bounds = jnp.concatenate(
        [xs_c, xb_c, kx, ys, ye, valid[..., None].astype(jnp.int32)], axis=-1
    )

    feat_t = features.transpose(0, 3, 2, 1)

    out = pl.pallas_call(
        _roi_body,
        grid_spec=pltpu.PrefetchScalarGridSpec(
            num_scalar_prefetch=1,
            grid=(b, n),
            in_specs=[
                pl.BlockSpec((1, w, h, c), lambda pb, pn, bnds: (pb, 0, 0, 0)),
            ],
            out_specs=pl.BlockSpec(
                (1, 1, _OH, _OW * c), lambda pb, pn, bnds: (pb, pn, 0, 0)
            ),
            scratch_shapes=[pltpu.VMEM((3, w, h, c), features.dtype)],
        ),
        out_shape=jax.ShapeDtypeStruct((b, n, _OH, _OW * c), features.dtype),
    )(bounds, feat_t)

    return out.reshape(b, n, _OH, _OW, c).transpose(0, 1, 4, 2, 3)

# --- scband reference (transcript-rebuilt; emitter-appended) ---
"""Pipeline reference for scband-ro-ipool-52329881534703 (READ-ONLY COPY).

The authoritative reference and input builder live on the scoring server;
editing this copy changes nothing except your own understanding.
"""

import jax, jax.numpy as jnp
import numpy as np

OUTPUT_SIZE = (7, 7)
B, C, H, W = 4, 768, 32, 32
N_ROIS = 64


def _make_rois(key, b, n):
    # two random points per box, sorted so x1<=x2, y1<=y2 (normalized coords)
    pts = jax.random.uniform(key, (b, n, 2, 2), dtype=jnp.float32)
    lo = jnp.min(pts, axis=2)
    hi = jnp.max(pts, axis=2)
    return jnp.concatenate([lo, hi], axis=-1)  # [b, n, 4] = x1, y1, x2, y2


def setup_inputs(seed: int = 0) -> dict:
    key = jax.random.key(seed)
    k1, k2 = jax.random.split(key)
    features = jax.random.normal(k1, (B, C, H, W), dtype=jnp.float32)
    rois = _make_rois(k2, B, N_ROIS)
    return {"features": features, "rois": rois}


def _adaptive_max_pool(x, out_h, out_w):
    # x: [C, h, w]; matches torch F.adaptive_max_pool2d bin boundaries:
    # start = floor(i*h/out), end = ceil((i+1)*h/out)
    c, h, w = x.shape
    out = jnp.zeros((c, out_h, out_w), dtype=x.dtype)
    for i in range(out_h):
        ys = (i * h) // out_h
        ye = -((-(i + 1) * h) // out_h)
        for j in range(out_w):
            xs = (j * w) // out_w
            xe = -((-(j + 1) * w) // out_w)
            out = out.at[:, i, j].set(jnp.max(x[:, ys:ye, xs:xe], axis=(1, 2)))
    return out


def reference(features, rois):
    b, c, h, w = features.shape
    out_h, out_w = OUTPUT_SIZE

    def pool_one(feat, roi):
        # feat: [C, h, w]; roi: [4] = x1, y1, x2, y2 (normalized)
        x1 = (roi[0] * w).astype(jnp.int32)
        y1 = (roi[1] * h).astype(jnp.int32)
        x2 = (roi[2] * w).astype(jnp.int32)
        y2 = (roi[3] * h).astype(jnp.int32)
        x1 = jnp.maximum(0, x1)
        y1 = jnp.maximum(0, y1)
        x2 = jnp.minimum(w - 1, x2)
        y2 = jnp.minimum(h - 1, y2)
        valid = (x2 >= x1) & (y2 >= y1)
        rh = y2 - y1 + 1
        rw = x2 - x1 + 1
        rows = jnp.arange(h)
        cols = jnp.arange(w)
        neg_inf = jnp.array(-jnp.inf, dtype=feat.dtype)
        out_rows = []
        for i in range(out_h):
            ys = y1 + (i * rh) // out_h
            ye = y1 + (-((-(i + 1) * rh) // out_h))
            rmask = (rows >= ys) & (rows < ye)
            out_cols = []
            for j in range(out_w):
                xs = x1 + (j * rw) // out_w
                xe = x1 + (-((-(j + 1) * rw) // out_w))
                cmask = (cols >= xs) & (cols < xe)
                mask = rmask[:, None] & cmask[None, :]
                vals = jnp.where(mask[None, :, :], feat, neg_inf)
                out_cols.append(jnp.max(vals, axis=(1, 2)))
            out_rows.append(jnp.stack(out_cols, axis=-1))
        pooled = jnp.stack(out_rows, axis=-2)  # [C, out_h, out_w]
        return jnp.where(valid, pooled, jnp.zeros_like(pooled))

    pool_rois = jax.vmap(pool_one, in_axes=(None, 0))
    # torch module returns a list of [N, C, oh, ow]; we stack to [B, N, C, oh, ow]
    return jax.vmap(pool_rois, in_axes=(0, 0))(features, rois)

if __name__ == "__main__":
    import jax
    _d = setup_inputs()
    print(jax.jit(kernel)(*tuple(_d.values())))

</pallas_src>

<mosaic_0001>
module attributes {stable_mosaic.version = 14 : i64} {
  func.func @_roi_body(%arg0: i32, %arg1: i32, %arg2: memref<4x64x36xi32, #tpu.memory_space<smem>>, %arg3: memref<1x32x32x768xf32, #tpu.memory_space<vmem>>, %arg4: memref<1x1x7x5376xf32, #tpu.memory_space<vmem>>, %arg5: memref<3x32x32x768xf32, #tpu.memory_space<vmem>>) attributes {dimension_semantics = [#tpu.dimension_semantics<arbitrary>, #tpu.dimension_semantics<arbitrary>], iteration_bounds = array<i64: 4, 64>, scalar_prefetch = 1 : i64, scratch_operands = 1 : i64, tpu.core_type = #tpu.core_type<tc>, window_params = [{transform_indices = @transform_0, window_bounds = array<i64: 1, 32, 32, 768>}, {transform_indices = @transform_1, window_bounds = array<i64: 1, 1, 7, 5376>}]} {
    %eq3A = arith.constant 0 : i32
    %eq3A_0 = arith.cmpi eq, %arg1, %eq3A : i32
    %convert_element_type3A = arith.extui %eq3A_0 : i1 to i32
    %cond3A = arith.constant 0 : i32
    %cond3A_1 = arith.cmpi ne, %convert_element_type3A, %cond3A : i32
    scf.if %cond3A_1 {
      %get3A_394 = arith.constant 0 : index
      %get3A_395 = arith.constant 0 : index
      %get3A_396 = arith.constant 0 : index
      %get3A_397 = arith.constant 0 : index
      %get3A_398 = vector.load %arg3[%get3A_394, %get3A_395, %get3A_396, %get3A_397] : memref<1x32x32x768xf32, #tpu.memory_space<vmem>>, vector<1x32x32x768xf32>
      %get3A_399 = vector.shape_cast %get3A_398 : vector<1x32x32x768xf32> to vector<32x32x768xf32>
      %slice3A = vector.extract_strided_slice %get3A_399 {offsets = [1, 0, 0], sizes = [31, 32, 768], strides = [1, 1, 1]} : vector<32x32x768xf32> to vector<31x32x768xf32>
      %slice3A_400 = vector.extract_strided_slice %get3A_399 {offsets = [31, 0, 0], sizes = [1, 32, 768], strides = [1, 1, 1]} : vector<32x32x768xf32> to vector<1x32x768xf32>
      %concatenate3A_401 = tpu.concatenate %slice3A, %slice3A_400 in 0 : vector<31x32x768xf32>, vector<1x32x768xf32> -> vector<32x32x768xf32>
      %max3A_402 = arith.maximumf %get3A_399, %concatenate3A_401 : vector<32x32x768xf32>
      %slice3A_403 = vector.extract_strided_slice %max3A_402 {offsets = [2, 0, 0], sizes = [30, 32, 768], strides = [1, 1, 1]} : vector<32x32x768xf32> to vector<30x32x768xf32>
      %slice3A_404 = vector.extract_strided_slice %max3A_402 {offsets = [30, 0, 0], sizes = [2, 32, 768], strides = [1, 1, 1]} : vector<32x32x768xf32> to vector<2x32x768xf32>
      %concatenate3A_405 = tpu.concatenate %slice3A_403, %slice3A_404 in 0 : vector<30x32x768xf32>, vector<2x32x768xf32> -> vector<32x32x768xf32>
      %max3A_406 = arith.maximumf %max3A_402, %concatenate3A_405 : vector<32x32x768xf32>
      %swap3A_407 = arith.constant 0 : index
      %swap3A_408 = arith.constant 0 : index
      %swap3A_409 = arith.constant 0 : index
      %swap3A_410 = arith.constant 0 : index
      %swap3A_411 = vector.load %arg5[%swap3A_407, %swap3A_408, %swap3A_409, %swap3A_410] : memref<3x32x32x768xf32, #tpu.memory_space<vmem>>, vector<1x32x32x768xf32>
      %swap3A_412 = vector.shape_cast %swap3A_411 : vector<1x32x32x768xf32> to vector<32x32x768xf32>
      %swap3A_413 = vector.shape_cast %get3A_399 : vector<32x32x768xf32> to vector<1x32x32x768xf32>
      tpu.vector_store %arg5[%swap3A_407, %swap3A_408, %swap3A_409, %swap3A_410], %swap3A_413 {strides = array<i32>} : memref<3x32x32x768xf32, #tpu.memory_space<vmem>>, vector<1x32x32x768xf32>,
      %swap3A_414 = arith.constant 1 : index
      %swap3A_415 = arith.constant 0 : index
      %swap3A_416 = arith.constant 0 : index
      %swap3A_417 = arith.constant 0 : index
      %swap3A_418 = vector.load %arg5[%swap3A_414, %swap3A_415, %swap3A_416, %swap3A_417] : memref<3x32x32x768xf32, #tpu.memory_space<vmem>>, vector<1x32x32x768xf32>
      %swap3A_419 = vector.shape_cast %swap3A_418 : vector<1x32x32x768xf32> to vector<32x32x768xf32>
      %swap3A_420 = vector.shape_cast %max3A_402 : vector<32x32x768xf32> to vector<1x32x32x768xf32>
      tpu.vector_store %arg5[%swap3A_414, %swap3A_415, %swap3A_416, %swap3A_417], %swap3A_420 {strides = array<i32>} : memref<3x32x32x768xf32, #tpu.memory_space<vmem>>, vector<1x32x32x768xf32>,
      %swap3A_421 = arith.constant 2 : index
      %swap3A_422 = arith.constant 0 : index
      %swap3A_423 = arith.constant 0 : index
      %swap3A_424 = arith.constant 0 : index
      %swap3A_425 = vector.load %arg5[%swap3A_421, %swap3A_422, %swap3A_423, %swap3A_424] : memref<3x32x32x768xf32, #tpu.memory_space<vmem>>, vector<1x32x32x768xf32>
      %swap3A_426 = vector.shape_cast %swap3A_425 : vector<1x32x32x768xf32> to vector<32x32x768xf32>
      %swap3A_427 = vector.shape_cast %max3A_406 : vector<32x32x768xf32> to vector<1x32x32x768xf32>
      tpu.vector_store %arg5[%swap3A_421, %swap3A_422, %swap3A_423, %swap3A_424], %swap3A_427 {strides = array<i32>} : memref<3x32x32x768xf32, #tpu.memory_space<vmem>>, vector<1x32x32x768xf32>,
    } else {
    }
    %get3A = arith.index_cast %arg0 : i32 to index
    %get3A_2 = arith.index_cast %arg1 : i32 to index
    %get3A_3 = arith.constant 0 : index
    %get3A_4 = memref.load %arg2[%get3A, %get3A_2, %get3A_3] : memref<4x64x36xi32, #tpu.memory_space<smem>>
    %get3A_5 = arith.index_cast %arg0 : i32 to index
    %get3A_6 = arith.index_cast %arg1 : i32 to index
    %get3A_7 = arith.constant 7 : index
    %get3A_8 = memref.load %arg2[%get3A_5, %get3A_6, %get3A_7] : memref<4x64x36xi32, #tpu.memory_space<smem>>
    %get3A_9 = arith.index_cast %arg0 : i32 to index
    %get3A_10 = arith.index_cast %arg1 : i32 to index
    %get3A_11 = arith.constant 14 : index
    %get3A_12 = memref.load %arg2[%get3A_9, %get3A_10, %get3A_11] : memref<4x64x36xi32, #tpu.memory_space<smem>>
    %get3A_13 = arith.index_cast %get3A_12 : i32 to index
    %get3A_14 = arith.index_cast %get3A_4 : i32 to index
    %get3A_15 = arith.constant 0 : index
    %get3A_16 = arith.constant 0 : index
    %get3A_17 = vector.load %arg5[%get3A_13, %get3A_14, %get3A_15, %get3A_16] : memref<3x32x32x768xf32, #tpu.memory_space<vmem>>, vector<1x1x32x768xf32>
    %get3A_18 = vector.shape_cast %get3A_17 : vector<1x1x32x768xf32> to vector<32x768xf32>
    %get3A_19 = arith.index_cast %get3A_12 : i32 to index
    %get3A_20 = arith.index_cast %get3A_8 : i32 to index
    %get3A_21 = arith.constant 0 : index
    %get3A_22 = arith.constant 0 : index
    %get3A_23 = vector.load %arg5[%get3A_19, %get3A_20, %get3A_21, %get3A_22] : memref<3x32x32x768xf32, #tpu.memory_space<vmem>>, vector<1x1x32x768xf32>
    %get3A_24 = vector.shape_cast %get3A_23 : vector<1x1x32x768xf32> to vector<32x768xf32>
    %max3A = arith.maximumf %get3A_18, %get3A_24 : vector<32x768xf32>
    %get3A_25 = arith.index_cast %arg0 : i32 to index
    %get3A_26 = arith.index_cast %arg1 : i32 to index
    %get3A_27 = arith.constant 1 : index
    %get3A_28 = memref.load %arg2[%get3A_25, %get3A_26, %get3A_27] : memref<4x64x36xi32, #tpu.memory_space<smem>>
    %get3A_29 = arith.index_cast %arg0 : i32 to index
    %get3A_30 = arith.index_cast %arg1 : i32 to index
    %get3A_31 = arith.constant 8 : index
    %get3A_32 = memref.load %arg2[%get3A_29, %get3A_30, %get3A_31] : memref<4x64x36xi32, #tpu.memory_space<smem>>
    %get3A_33 = arith.index_cast %arg0 : i32 to index
    %get3A_34 = arith.index_cast %arg1 : i32 to index
    %get3A_35 = arith.constant 15 : index
    %get3A_36 = memref.load %arg2[%get3A_33, %get3A_34, %get3A_35] : memref<4x64x36xi32, #tpu.memory_space<smem>>
    %get3A_37 = arith.index_cast %get3A_36 : i32 to index
    %get3A_38 = arith.index_cast %get3A_28 : i32 to index
    %get3A_39 = arith.constant 0 : index
    %get3A_40 = arith.constant 0 : index
    %get3A_41 = vector.load %arg5[%get3A_37, %get3A_38, %get3A_39, %get3A_40] : memref<3x32x32x768xf32, #tpu.memory_space<vmem>>, vector<1x1x32x768xf32>
    %get3A_42 = vector.shape_cast %get3A_41 : vector<1x1x32x768xf32> to vector<32x768xf32>
    %get3A_43 = arith.index_cast %get3A_36 : i32 to index
    %get3A_44 = arith.index_cast %get3A_32 : i32 to index
    %get3A_45 = arith.constant 0 : index
    %get3A_46 = arith.constant 0 : index
    %get3A_47 = vector.load %arg5[%get3A_43, %get3A_44, %get3A_45, %get3A_46] : memref<3x32x32x768xf32, #tpu.memory_space<vmem>>, vector<1x1x32x768xf32>
    %get3A_48 = vector.shape_cast %get3A_47 : vector<1x1x32x768xf32> to vector<32x768xf32>
    %max3A_49 = arith.maximumf %get3A_42, %get3A_48 : vector<32x768xf32>
    %get3A_50 = arith.index_cast %arg0 : i32 to index
    %get3A_51 = arith.index_cast %arg1 : i32 to index
    %get3A_52 = arith.constant 2 : index
    %get3A_53 = memref.load %arg2[%get3A_50, %get3A_51, %get3A_52] : memref<4x64x36xi32, #tpu.memory_space<smem>>
    %get3A_54 = arith.index_cast %arg0 : i32 to index
    %get3A_55 = arith.index_cast %arg1 : i32 to index
    %get3A_56 = arith.constant 9 : index
    %get3A_57 = memref.load %arg2[%get3A_54, %get3A_55, %get3A_56] : memref<4x64x36xi32, #tpu.memory_space<smem>>
    %get3A_58 = arith.index_cast %arg0 : i32 to index
    %get3A_59 = arith.index_cast %arg1 : i32 to index
    %get3A_60 = arith.constant 16 : index
    %get3A_61 = memref.load %arg2[%get3A_58, %get3A_59, %get3A_60] : memref<4x64x36xi32, #tpu.memory_space<smem>>
    %get3A_62 = arith.index_cast %get3A_61 : i32 to index
    %get3A_63 = arith.index_cast %get3A_53 : i32 to index
    %get3A_64 = arith.constant 0 : index
    %get3A_65 = arith.constant 0 : index
    %get3A_66 = vector.load %arg5[%get3A_62, %get3A_63, %get3A_64, %get3A_65] : memref<3x32x32x768xf32, #tpu.memory_space<vmem>>, vector<1x1x32x768xf32>
    %get3A_67 = vector.shape_cast %get3A_66 : vector<1x1x32x768xf32> to vector<32x768xf32>
    %get3A_68 = arith.index_cast %get3A_61 : i32 to index
    %get3A_69 = arith.index_cast %get3A_57 : i32 to index
    %get3A_70 = arith.constant 0 : index
    %get3A_71 = arith.constant 0 : index
    %get3A_72 = vector.load %arg5[%get3A_68, %get3A_69, %get3A_70, %get3A_71] : memref<3x32x32x768xf32, #tpu.memory_space<vmem>>, vector<1x1x32x768xf32>
    %get3A_73 = vector.shape_cast %get3A_72 : vector<1x1x32x768xf32> to vector<32x768xf32>
    %max3A_74 = arith.maximumf %get3A_67, %get3A_73 : vector<32x768xf32>
    %get3A_75 = arith.index_cast %arg0 : i32 to index
    %get3A_76 = arith.index_cast %arg1 : i32 to index
    %get3A_77 = arith.constant 3 : index
    %get3A_78 = memref.load %arg2[%get3A_75, %get3A_76, %get3A_77] : memref<4x64x36xi32, #tpu.memory_space<smem>>
    %get3A_79 = arith.index_cast %arg0 : i32 to index
    %get3A_80 = arith.index_cast %arg1 : i32 to index
    %get3A_81 = arith.constant 10 : index
    %get3A_82 = memref.load %arg2[%get3A_79, %get3A_80, %get3A_81] : memref<4x64x36xi32, #tpu.memory_space<smem>>
    %get3A_83 = arith.index_cast %arg0 : i32 to index
    %get3A_84 = arith.index_cast %arg1 : i32 to index
    %get3A_85 = arith.constant 17 : index
    %get3A_86 = memref.load %arg2[%get3A_83, %get3A_84, %get3A_85] : memref<4x64x36xi32, #tpu.memory_space<smem>>
    %get3A_87 = arith.index_cast %get3A_86 : i32 to index
    %get3A_88 = arith.index_cast %get3A_78 : i32 to index
    %get3A_89 = arith.constant 0 : index
    %get3A_90 = arith.constant 0 : index
    %get3A_91 = vector.load %arg5[%get3A_87, %get3A_88, %get3A_89, %get3A_90] : memref<3x32x32x768xf32, #tpu.memory_space<vmem>>, vector<1x1x32x768xf32>
    %get3A_92 = vector.shape_cast %get3A_91 : vector<1x1x32x768xf32> to vector<32x768xf32>
    %get3A_93 = arith.index_cast %get3A_86 : i32 to index
    %get3A_94 = arith.index_cast %get3A_82 : i32 to index
    %get3A_95 = arith.constant 0 : index
    %get3A_96 = arith.constant 0 : index
    %get3A_97 = vector.load %arg5[%get3A_93, %get3A_94, %get3A_95, %get3A_96] : memref<3x32x32x768xf32, #tpu.memory_space<vmem>>, vector<1x1x32x768xf32>
    %get3A_98 = vector.shape_cast %get3A_97 : vector<1x1x32x768xf32> to vector<32x768xf32>
    %max3A_99 = arith.maximumf %get3A_92, %get3A_98 : vector<32x768xf32>
    %get3A_100 = arith.index_cast %arg0 : i32 to index
    %get3A_101 = arith.index_cast %arg1 : i32 to index
    %get3A_102 = arith.constant 4 : index
    %get3A_103 = memref.load %arg2[%get3A_100, %get3A_101, %get3A_102] : memref<4x64x36xi32, #tpu.memory_space<smem>>
    %get3A_104 = arith.index_cast %arg0 : i32 to index
    %get3A_105 = arith.index_cast %arg1 : i32 to index
    %get3A_106 = arith.constant 11 : index
    %get3A_107 = memref.load %arg2[%get3A_104, %get3A_105, %get3A_106] : memref<4x64x36xi32, #tpu.memory_space<smem>>
    %get3A_108 = arith.index_cast %arg0 : i32 to index
    %get3A_109 = arith.index_cast %arg1 : i32 to index
    %get3A_110 = arith.constant 18 : index
    %get3A_111 = memref.load %arg2[%get3A_108, %get3A_109, %get3A_110] : memref<4x64x36xi32, #tpu.memory_space<smem>>
    %get3A_112 = arith.index_cast %get3A_111 : i32 to index
    %get3A_113 = arith.index_cast %get3A_103 : i32 to index
    %get3A_114 = arith.constant 0 : index
    %get3A_115 = arith.constant 0 : index
    %get3A_116 = vector.load %arg5[%get3A_112, %get3A_113, %get3A_114, %get3A_115] : memref<3x32x32x768xf32, #tpu.memory_space<vmem>>, vector<1x1x32x768xf32>
    %get3A_117 = vector.shape_cast %get3A_116 : vector<1x1x32x768xf32> to vector<32x768xf32>
    %get3A_118 = arith.index_cast %get3A_111 : i32 to index
    %get3A_119 = arith.index_cast %get3A_107 : i32 to index
    %get3A_120 = arith.constant 0 : index
    %get3A_121 = arith.constant 0 : index
    %get3A_122 = vector.load %arg5[%get3A_118, %get3A_119, %get3A_120, %get3A_121] : memref<3x32x32x768xf32, #tpu.memory_space<vmem>>, vector<1x1x32x768xf32>
    %get3A_123 = vector.shape_cast %get3A_122 : vector<1x1x32x768xf32> to vector<32x768xf32>
    %max3A_124 = arith.maximumf %get3A_117, %get3A_123 : vector<32x768xf32>
    %get3A_125 = arith.index_cast %arg0 : i32 to index
    %get3A_126 = arith.index_cast %arg1 : i32 to index
    %get3A_127 = arith.constant 5 : index
    %get3A_128 = memref.load %arg2[%get3A_125, %get3A_126, %get3A_127] : memref<4x64x36xi32, #tpu.memory_space<smem>>
    %get3A_129 = arith.index_cast %arg0 : i32 to index
    %get3A_130 = arith.index_cast %arg1 : i32 to index
    %get3A_131 = arith.constant 12 : index
    %get3A_132 = memref.load %arg2[%get3A_129, %get3A_130, %get3A_131] : memref<4x64x36xi32, #tpu.memory_space<smem>>
    %get3A_133 = arith.index_cast %arg0 : i32 to index
    %get3A_134 = arith.index_cast %arg1 : i32 to index
    %get3A_135 = arith.constant 19 : index
    %get3A_136 = memref.load %arg2[%get3A_133, %get3A_134, %get3A_135] : memref<4x64x36xi32, #tpu.memory_space<smem>>
    %get3A_137 = arith.index_cast %get3A_136 : i32 to index
    %get3A_138 = arith.index_cast %get3A_128 : i32 to index
    %get3A_139 = arith.constant 0 : index
    %get3A_140 = arith.constant 0 : index
    %get3A_141 = vector.load %arg5[%get3A_137, %get3A_138, %get3A_139, %get3A_140] : memref<3x32x32x768xf32, #tpu.memory_space<vmem>>, vector<1x1x32x768xf32>
    %get3A_142 = vector.shape_cast %get3A_141 : vector<1x1x32x768xf32> to vector<32x768xf32>
    %get3A_143 = arith.index_cast %get3A_136 : i32 to index
    %get3A_144 = arith.index_cast %get3A_132 : i32 to index
    %get3A_145 = arith.constant 0 : index
    %get3A_146 = arith.constant 0 : index
    %get3A_147 = vector.load %arg5[%get3A_143, %get3A_144, %get3A_145, %get3A_146] : memref<3x32x32x768xf32, #tpu.memory_space<vmem>>, vector<1x1x32x768xf32>
    %get3A_148 = vector.shape_cast %get3A_147 : vector<1x1x32x768xf32> to vector<32x768xf32>
    %max3A_149 = arith.maximumf %get3A_142, %get3A_148 : vector<32x768xf32>
    %get3A_150 = arith.index_cast %arg0 : i32 to index
    %get3A_151 = arith.index_cast %arg1 : i32 to index
    %get3A_152 = arith.constant 6 : index
    %get3A_153 = memref.load %arg2[%get3A_150, %get3A_151, %get3A_152] : memref<4x64x36xi32, #tpu.memory_space<smem>>
    %get3A_154 = arith.index_cast %arg0 : i32 to index
    %get3A_155 = arith.index_cast %arg1 : i32 to index
    %get3A_156 = arith.constant 13 : index
    %get3A_157 = memref.load %arg2[%get3A_154, %get3A_155, %get3A_156] : memref<4x64x36xi32, #tpu.memory_space<smem>>
    %get3A_158 = arith.index_cast %arg0 : i32 to index
    %get3A_159 = arith.index_cast %arg1 : i32 to index
    %get3A_160 = arith.constant 20 : index
    %get3A_161 = memref.load %arg2[%get3A_158, %get3A_159, %get3A_160] : memref<4x64x36xi32, #tpu.memory_space<smem>>
    %get3A_162 = arith.index_cast %get3A_161 : i32 to index
    %get3A_163 = arith.index_cast %get3A_153 : i32 to index
    %get3A_164 = arith.constant 0 : index
    %get3A_165 = arith.constant 0 : index
    %get3A_166 = vector.load %arg5[%get3A_162, %get3A_163, %get3A_164, %get3A_165] : memref<3x32x32x768xf32, #tpu.memory_space<vmem>>, vector<1x1x32x768xf32>
    %get3A_167 = vector.shape_cast %get3A_166 : vector<1x1x32x768xf32> to vector<32x768xf32>
    %get3A_168 = arith.index_cast %get3A_161 : i32 to index
    %get3A_169 = arith.index_cast %get3A_157 : i32 to index
    %get3A_170 = arith.constant 0 : index
    %get3A_171 = arith.constant 0 : index
    %get3A_172 = vector.load %arg5[%get3A_168, %get3A_169, %get3A_170, %get3A_171] : memref<3x32x32x768xf32, #tpu.memory_space<vmem>>, vector<1x1x32x768xf32>
    %get3A_173 = vector.shape_cast %get3A_172 : vector<1x1x32x768xf32> to vector<32x768xf32>
    %max3A_174 = arith.maximumf %get3A_167, %get3A_173 : vector<32x768xf32>
    %concatenate3A = tpu.concatenate %max3A, %max3A_49, %max3A_74, %max3A_99, %max3A_124, %max3A_149, %max3A_174 in 1 : vector<32x768xf32>, vector<32x768xf32>, vector<32x768xf32>, vector<32x768xf32>, vector<32x768xf32>, vector<32x768xf32>, vector<32x768xf32> -> vector<32x5376xf32>
    %iota3A = tpu.iota {dimensions = array<i32: 0>} : vector<32x1xi32>
    %get3A_175 = arith.index_cast %arg0 : i32 to index
    %get3A_176 = arith.index_cast %arg1 : i32 to index
    %get3A_177 = arith.constant 35 : index
    %get3A_178 = memref.load %arg2[%get3A_175, %get3A_176, %get3A_177] : memref<4x64x36xi32, #tpu.memory_space<smem>>
    %get3A_179 = arith.index_cast %arg0 : i32 to index
    %get3A_180 = arith.index_cast %arg1 : i32 to index
    %get3A_181 = arith.constant 21 : index
    %get3A_182 = memref.load %arg2[%get3A_179, %get3A_180, %get3A_181] : memref<4x64x36xi32, #tpu.memory_space<smem>>
    %get3A_183 = arith.index_cast %arg0 : i32 to index
    %get3A_184 = arith.index_cast %arg1 : i32 to index
    %get3A_185 = arith.constant 28 : index
    %get3A_186 = memref.load %arg2[%get3A_183, %get3A_184, %get3A_185] : memref<4x64x36xi32, #tpu.memory_space<smem>>
    %ge3A = vector.broadcast %get3A_182 : i32 to vector<32x1xi32>
    %ge3A_187 = arith.cmpi sge, %iota3A, %ge3A : vector<32x1xi32>
    %lt3A = vector.broadcast %get3A_186 : i32 to vector<32x1xi32>
    %lt3A_188 = arith.cmpi slt, %iota3A, %lt3A : vector<32x1xi32>
    %and3A = arith.andi %ge3A_187, %lt3A_188 : vector<32x1xi1>
    %jit3A = arith.constant 0xFF800000 : f32
    %broadcast_in_dim3A = vector.shape_cast %and3A : vector<32x1xi1> to vector<32x1xi1>
    %broadcast_in_dim3A_189 = vector.broadcast %broadcast_in_dim3A : vector<32x1xi1> to vector<32x5376xi1>
    %broadcast_in_dim3A_190 = vector.broadcast %jit3A : f32 to vector<32x5376xf32>
    %select_n3A = arith.select %broadcast_in_dim3A_189, %concatenate3A, %broadcast_in_dim3A_190 : vector<32x5376xi1>, vector<32x5376xf32>
    %reduce_max3A = arith.constant dense<0xFF800000> : vector<5376xf32>
    %reduce_max3A_191 = vector.multi_reduction <maximumf>, %select_n3A, %reduce_max3A [0] : vector<32x5376xf32> to vector<5376xf32>
    %gt3A = arith.constant 0 : i32
    %gt3A_192 = arith.cmpi sgt, %get3A_178, %gt3A : i32
    %jit3A_193 = arith.constant 0.000000e+00 : f32
    %broadcast_in_dim3A_194 = vector.broadcast %jit3A_193 : f32 to vector<5376xf32>
    %select_n3A_195 = arith.select %gt3A_192, %reduce_max3A_191, %broadcast_in_dim3A_194 : vector<5376xf32>
    %swap3A = arith.constant 0 : index
    %swap3A_196 = arith.constant 0 : index
    %swap3A_197 = arith.constant 0 : index
    %swap3A_198 = arith.constant 0 : index
    %swap3A_199 = vector.load %arg4[%swap3A, %swap3A_196, %swap3A_197, %swap3A_198] : memref<1x1x7x5376xf32, #tpu.memory_space<vmem>>, vector<1x1x1x5376xf32>
    %swap3A_200 = vector.shape_cast %swap3A_199 : vector<1x1x1x5376xf32> to vector<5376xf32>
    %swap3A_201 = vector.shape_cast %select_n3A_195 : vector<5376xf32> to vector<1x1x1x5376xf32>
    tpu.vector_store %arg4[%swap3A, %swap3A_196, %swap3A_197, %swap3A_198], %swap3A_201 {strides = array<i32>} : memref<1x1x7x5376xf32, #tpu.memory_space<vmem>>, vector<1x1x1x5376xf32>,
    %get3A_202 = arith.index_cast %arg0 : i32 to index
    %get3A_203 = arith.index_cast %arg1 : i32 to index
    %get3A_204 = arith.constant 22 : index
    %get3A_205 = memref.load %arg2[%get3A_202, %get3A_203, %get3A_204] : memref<4x64x36xi32, #tpu.memory_space<smem>>
    %get3A_206 = arith.index_cast %arg0 : i32 to index
    %get3A_207 = arith.index_cast %arg1 : i32 to index
    %get3A_208 = arith.constant 29 : index
    %get3A_209 = memref.load %arg2[%get3A_206, %get3A_207, %get3A_208] : memref<4x64x36xi32, #tpu.memory_space<smem>>
    %ge3A_210 = vector.broadcast %get3A_205 : i32 to vector<32x1xi32>
    %ge3A_211 = arith.cmpi sge, %iota3A, %ge3A_210 : vector<32x1xi32>
    %lt3A_212 = vector.broadcast %get3A_209 : i32 to vector<32x1xi32>
    %lt3A_213 = arith.cmpi slt, %iota3A, %lt3A_212 : vector<32x1xi32>
    %and3A_214 = arith.andi %ge3A_211, %lt3A_213 : vector<32x1xi1>
    %jit3A_215 = arith.constant 0xFF800000 : f32
    %broadcast_in_dim3A_216 = vector.shape_cast %and3A_214 : vector<32x1xi1> to vector<32x1xi1>
    %broadcast_in_dim3A_217 = vector.broadcast %broadcast_in_dim3A_216 : vector<32x1xi1> to vector<32x5376xi1>
    %broadcast_in_dim3A_218 = vector.broadcast %jit3A_215 : f32 to vector<32x5376xf32>
    %select_n3A_219 = arith.select %broadcast_in_dim3A_217, %concatenate3A, %broadcast_in_dim3A_218 : vector<32x5376xi1>, vector<32x5376xf32>
    %reduce_max3A_220 = arith.constant dense<0xFF800000> : vector<5376xf32>
    %reduce_max3A_221 = vector.multi_reduction <maximumf>, %select_n3A_219, %reduce_max3A_220 [0] : vector<32x5376xf32> to vector<5376xf32>
    %gt3A_222 = arith.constant 0 : i32
    %gt3A_223 = arith.cmpi sgt, %get3A_178, %gt3A_222 : i32
    %jit3A_224 = arith.constant 0.000000e+00 : f32
    %broadcast_in_dim3A_225 = vector.broadcast %jit3A_224 : f32 to vector<5376xf32>
    %select_n3A_226 = arith.select %gt3A_223, %reduce_max3A_221, %broadcast_in_dim3A_225 : vector<5376xf32>
    %swap3A_227 = arith.constant 0 : index
    %swap3A_228 = arith.constant 0 : index
    %swap3A_229 = arith.constant 1 : index
    %swap3A_230 = arith.constant 0 : index
    %swap3A_231 = vector.load %arg4[%swap3A_227, %swap3A_228, %swap3A_229, %swap3A_230] : memref<1x1x7x5376xf32, #tpu.memory_space<vmem>>, vector<1x1x1x5376xf32>
    %swap3A_232 = vector.shape_cast %swap3A_231 : vector<1x1x1x5376xf32> to vector<5376xf32>
    %swap3A_233 = vector.shape_cast %select_n3A_226 : vector<5376xf32> to vector<1x1x1x5376xf32>
    tpu.vector_store %arg4[%swap3A_227, %swap3A_228, %swap3A_229, %swap3A_230], %swap3A_233 {strides = array<i32>} : memref<1x1x7x5376xf32, #tpu.memory_space<vmem>>, vector<1x1x1x5376xf32>,
    %get3A_234 = arith.index_cast %arg0 : i32 to index
    %get3A_235 = arith.index_cast %arg1 : i32 to index
    %get3A_236 = arith.constant 23 : index
    %get3A_237 = memref.load %arg2[%get3A_234, %get3A_235, %get3A_236] : memref<4x64x36xi32, #tpu.memory_space<smem>>
    %get3A_238 = arith.index_cast %arg0 : i32 to index
    %get3A_239 = arith.index_cast %arg1 : i32 to index
    %get3A_240 = arith.constant 30 : index
    %get3A_241 = memref.load %arg2[%get3A_238, %get3A_239, %get3A_240] : memref<4x64x36xi32, #tpu.memory_space<smem>>
    %ge3A_242 = vector.broadcast %get3A_237 : i32 to vector<32x1xi32>
    %ge3A_243 = arith.cmpi sge, %iota3A, %ge3A_242 : vector<32x1xi32>
    %lt3A_244 = vector.broadcast %get3A_241 : i32 to vector<32x1xi32>
    %lt3A_245 = arith.cmpi slt, %iota3A, %lt3A_244 : vector<32x1xi32>
    %and3A_246 = arith.andi %ge3A_243, %lt3A_245 : vector<32x1xi1>
    %jit3A_247 = arith.constant 0xFF800000 : f32
    %broadcast_in_dim3A_248 = vector.shape_cast %and3A_246 : vector<32x1xi1> to vector<32x1xi1>
    %broadcast_in_dim3A_249 = vector.broadcast %broadcast_in_dim3A_248 : vector<32x1xi1> to vector<32x5376xi1>
    %broadcast_in_dim3A_250 = vector.broadcast %jit3A_247 : f32 to vector<32x5376xf32>
    %select_n3A_251 = arith.select %broadcast_in_dim3A_249, %concatenate3A, %broadcast_in_dim3A_250 : vector<32x5376xi1>, vector<32x5376xf32>
    %reduce_max3A_252 = arith.constant dense<0xFF800000> : vector<5376xf32>
    %reduce_max3A_253 = vector.multi_reduction <maximumf>, %select_n3A_251, %reduce_max3A_252 [0] : vector<32x5376xf32> to vector<5376xf32>
    %gt3A_254 = arith.constant 0 : i32
    %gt3A_255 = arith.cmpi sgt, %get3A_178, %gt3A_254 : i32
    %jit3A_256 = arith.constant 0.000000e+00 : f32
    %broadcast_in_dim3A_257 = vector.broadcast %jit3A_256 : f32 to vector<5376xf32>
    %select_n3A_258 = arith.select %gt3A_255, %reduce_max3A_253, %broadcast_in_dim3A_257 : vector<5376xf32>
    %swap3A_259 = arith.constant 0 : index
    %swap3A_260 = arith.constant 0 : index
    %swap3A_261 = arith.constant 2 : index
    %swap3A_262 = arith.constant 0 : index
    %swap3A_263 = vector.load %arg4[%swap3A_259, %swap3A_260, %swap3A_261, %swap3A_262] : memref<1x1x7x5376xf32, #tpu.memory_space<vmem>>, vector<1x1x1x5376xf32>
    %swap3A_264 = vector.shape_cast %swap3A_263 : vector<1x1x1x5376xf32> to vector<5376xf32>
    %swap3A_265 = vector.shape_cast %select_n3A_258 : vector<5376xf32> to vector<1x1x1x5376xf32>
    tpu.vector_store %arg4[%swap3A_259, %swap3A_260, %swap3A_261, %swap3A_262], %swap3A_265 {strides = array<i32>} : memref<1x1x7x5376xf32, #tpu.memory_space<vmem>>, vector<1x1x1x5376xf32>,
    %get3A_266 = arith.index_cast %arg0 : i32 to index
    %get3A_267 = arith.index_cast %arg1 : i32 to index
    %get3A_268 = arith.constant 24 : index
    %get3A_269 = memref.load %arg2[%get3A_266, %get3A_267, %get3A_268] : memref<4x64x36xi32, #tpu.memory_space<smem>>
    %get3A_270 = arith.index_cast %arg0 : i32 to index
    %get3A_271 = arith.index_cast %arg1 : i32 to index
    %get3A_272 = arith.constant 31 : index
    %get3A_273 = memref.load %arg2[%get3A_270, %get3A_271, %get3A_272] : memref<4x64x36xi32, #tpu.memory_space<smem>>
    %ge3A_274 = vector.broadcast %get3A_269 : i32 to vector<32x1xi32>
    %ge3A_275 = arith.cmpi sge, %iota3A, %ge3A_274 : vector<32x1xi32>
    %lt3A_276 = vector.broadcast %get3A_273 : i32 to vector<32x1xi32>
    %lt3A_277 = arith.cmpi slt, %iota3A, %lt3A_276 : vector<32x1xi32>
    %and3A_278 = arith.andi %ge3A_275, %lt3A_277 : vector<32x1xi1>
    %jit3A_279 = arith.constant 0xFF800000 : f32
    %broadcast_in_dim3A_280 = vector.shape_cast %and3A_278 : vector<32x1xi1> to vector<32x1xi1>
    %broadcast_in_dim3A_281 = vector.broadcast %broadcast_in_dim3A_280 : vector<32x1xi1> to vector<32x5376xi1>
    %broadcast_in_dim3A_282 = vector.broadcast %jit3A_279 : f32 to vector<32x5376xf32>
    %select_n3A_283 = arith.select %broadcast_in_dim3A_281, %concatenate3A, %broadcast_in_dim3A_282 : vector<32x5376xi1>, vector<32x5376xf32>
    %reduce_max3A_284 = arith.constant dense<0xFF800000> : vector<5376xf32>
    %reduce_max3A_285 = vector.multi_reduction <maximumf>, %select_n3A_283, %reduce_max3A_284 [0] : vector<32x5376xf32> to vector<5376xf32>
    %gt3A_286 = arith.constant 0 : i32
    %gt3A_287 = arith.cmpi sgt, %get3A_178, %gt3A_286 : i32
    %jit3A_288 = arith.constant 0.000000e+00 : f32
    %broadcast_in_dim3A_289 = vector.broadcast %jit3A_288 : f32 to vector<5376xf32>
    %select_n3A_290 = arith.select %gt3A_287, %reduce_max3A_285, %broadcast_in_dim3A_289 : vector<5376xf32>
    %swap3A_291 = arith.constant 0 : index
    %swap3A_292 = arith.constant 0 : index
    %swap3A_293 = arith.constant 3 : index
    %swap3A_294 = arith.constant 0 : index
    %swap3A_295 = vector.load %arg4[%swap3A_291, %swap3A_292, %swap3A_293, %swap3A_294] : memref<1x1x7x5376xf32, #tpu.memory_space<vmem>>, vector<1x1x1x5376xf32>
    %swap3A_296 = vector.shape_cast %swap3A_295 : vector<1x1x1x5376xf32> to vector<5376xf32>
    %swap3A_297 = vector.shape_cast %select_n3A_290 : vector<5376xf32> to vector<1x1x1x5376xf32>
    tpu.vector_store %arg4[%swap3A_291, %swap3A_292, %swap3A_293, %swap3A_294], %swap3A_297 {strides = array<i32>} : memref<1x1x7x5376xf32, #tpu.memory_space<vmem>>, vector<1x1x1x5376xf32>,
    %get3A_298 = arith.index_cast %arg0 : i32 to index
    %get3A_299 = arith.index_cast %arg1 : i32 to index
    %get3A_300 = arith.constant 25 : index
    %get3A_301 = memref.load %arg2[%get3A_298, %get3A_299, %get3A_300] : memref<4x64x36xi32, #tpu.memory_space<smem>>
    %get3A_302 = arith.index_cast %arg0 : i32 to index
    %get3A_303 = arith.index_cast %arg1 : i32 to index
    %get3A_304 = arith.constant 32 : index
    %get3A_305 = memref.load %arg2[%get3A_302, %get3A_303, %get3A_304] : memref<4x64x36xi32, #tpu.memory_space<smem>>
    %ge3A_306 = vector.broadcast %get3A_301 : i32 to vector<32x1xi32>
    %ge3A_307 = arith.cmpi sge, %iota3A, %ge3A_306 : vector<32x1xi32>
    %lt3A_308 = vector.broadcast %get3A_305 : i32 to vector<32x1xi32>
    %lt3A_309 = arith.cmpi slt, %iota3A, %lt3A_308 : vector<32x1xi32>
    %and3A_310 = arith.andi %ge3A_307, %lt3A_309 : vector<32x1xi1>
    %jit3A_311 = arith.constant 0xFF800000 : f32
    %broadcast_in_dim3A_312 = vector.shape_cast %and3A_310 : vector<32x1xi1> to vector<32x1xi1>
    %broadcast_in_dim3A_313 = vector.broadcast %broadcast_in_dim3A_312 : vector<32x1xi1> to vector<32x5376xi1>
    %broadcast_in_dim3A_314 = vector.broadcast %jit3A_311 : f32 to vector<32x5376xf32>
    %select_n3A_315 = arith.select %broadcast_in_dim3A_313, %concatenate3A, %broadcast_in_dim3A_314 : vector<32x5376xi1>, vector<32x5376xf32>
    %reduce_max3A_316 = arith.constant dense<0xFF800000> : vector<5376xf32>
    %reduce_max3A_317 = vector.multi_reduction <maximumf>, %select_n3A_315, %reduce_max3A_316 [0] : vector<32x5376xf32> to vector<5376xf32>
    %gt3A_318 = arith.constant 0 : i32
    %gt3A_319 = arith.cmpi sgt, %get3A_178, %gt3A_318 : i32
    %jit3A_320 = arith.constant 0.000000e+00 : f32
    %broadcast_in_dim3A_321 = vector.broadcast %jit3A_320 : f32 to vector<5376xf32>
    %select_n3A_322 = arith.select %gt3A_319, %reduce_max3A_317, %broadcast_in_dim3A_321 : vector<5376xf32>
    %swap3A_323 = arith.constant 0 : index
    %swap3A_324 = arith.constant 0 : index
    %swap3A_325 = arith.constant 4 : index
    %swap3A_326 = arith.constant 0 : index
    %swap3A_327 = vector.load %arg4[%swap3A_323, %swap3A_324, %swap3A_325, %swap3A_326] : memref<1x1x7x5376xf32, #tpu.memory_space<vmem>>, vector<1x1x1x5376xf32>
    %swap3A_328 = vector.shape_cast %swap3A_327 : vector<1x1x1x5376xf32> to vector<5376xf32>
    %swap3A_329 = vector.shape_cast %select_n3A_322 : vector<5376xf32> to vector<1x1x1x5376xf32>
    tpu.vector_store %arg4[%swap3A_323, %swap3A_324, %swap3A_325, %swap3A_326], %swap3A_329 {strides = array<i32>} : memref<1x1x7x5376xf32, #tpu.memory_space<vmem>>, vector<1x1x1x5376xf32>,
    %get3A_330 = arith.index_cast %arg0 : i32 to index
    %get3A_331 = arith.index_cast %arg1 : i32 to index
    %get3A_332 = arith.constant 26 : index
    %get3A_333 = memref.load %arg2[%get3A_330, %get3A_331, %get3A_332] : memref<4x64x36xi32, #tpu.memory_space<smem>>
    %get3A_334 = arith.index_cast %arg0 : i32 to index
    %get3A_335 = arith.index_cast %arg1 : i32 to index
    %get3A_336 = arith.constant 33 : index
    %get3A_337 = memref.load %arg2[%get3A_334, %get3A_335, %get3A_336] : memref<4x64x36xi32, #tpu.memory_space<smem>>
    %ge3A_338 = vector.broadcast %get3A_333 : i32 to vector<32x1xi32>
    %ge3A_339 = arith.cmpi sge, %iota3A, %ge3A_338 : vector<32x1xi32>
    %lt3A_340 = vector.broadcast %get3A_337 : i32 to vector<32x1xi32>
    %lt3A_341 = arith.cmpi slt, %iota3A, %lt3A_340 : vector<32x1xi32>
    %and3A_342 = arith.andi %ge3A_339, %lt3A_341 : vector<32x1xi1>
    %jit3A_343 = arith.constant 0xFF800000 : f32
    %broadcast_in_dim3A_344 = vector.shape_cast %and3A_342 : vector<32x1xi1> to vector<32x1xi1>
    %broadcast_in_dim3A_345 = vector.broadcast %broadcast_in_dim3A_344 : vector<32x1xi1> to vector<32x5376xi1>
    %broadcast_in_dim3A_346 = vector.broadcast %jit3A_343 : f32 to vector<32x5376xf32>
    %select_n3A_347 = arith.select %broadcast_in_dim3A_345, %concatenate3A, %broadcast_in_dim3A_346 : vector<32x5376xi1>, vector<32x5376xf32>
    %reduce_max3A_348 = arith.constant dense<0xFF800000> : vector<5376xf32>
    %reduce_max3A_349 = vector.multi_reduction <maximumf>, %select_n3A_347, %reduce_max3A_348 [0] : vector<32x5376xf32> to vector<5376xf32>
    %gt3A_350 = arith.constant 0 : i32
    %gt3A_351 = arith.cmpi sgt, %get3A_178, %gt3A_350 : i32
    %jit3A_352 = arith.constant 0.000000e+00 : f32
    %broadcast_in_dim3A_353 = vector.broadcast %jit3A_352 : f32 to vector<5376xf32>
    %select_n3A_354 = arith.select %gt3A_351, %reduce_max3A_349, %broadcast_in_dim3A_353 : vector<5376xf32>
    %swap3A_355 = arith.constant 0 : index
    %swap3A_356 = arith.constant 0 : index
    %swap3A_357 = arith.constant 5 : index
    %swap3A_358 = arith.constant 0 : index
    %swap3A_359 = vector.load %arg4[%swap3A_355, %swap3A_356, %swap3A_357, %swap3A_358] : memref<1x1x7x5376xf32, #tpu.memory_space<vmem>>, vector<1x1x1x5376xf32>
    %swap3A_360 = vector.shape_cast %swap3A_359 : vector<1x1x1x5376xf32> to vector<5376xf32>
    %swap3A_361 = vector.shape_cast %select_n3A_354 : vector<5376xf32> to vector<1x1x1x5376xf32>
    tpu.vector_store %arg4[%swap3A_355, %swap3A_356, %swap3A_357, %swap3A_358], %swap3A_361 {strides = array<i32>} : memref<1x1x7x5376xf32, #tpu.memory_space<vmem>>, vector<1x1x1x5376xf32>,
    %get3A_362 = arith.index_cast %arg0 : i32 to index
    %get3A_363 = arith.index_cast %arg1 : i32 to index
    %get3A_364 = arith.constant 27 : index
    %get3A_365 = memref.load %arg2[%get3A_362, %get3A_363, %get3A_364] : memref<4x64x36xi32, #tpu.memory_space<smem>>
    %get3A_366 = arith.index_cast %arg0 : i32 to index
    %get3A_367 = arith.index_cast %arg1 : i32 to index
    %get3A_368 = arith.constant 34 : index
    %get3A_369 = memref.load %arg2[%get3A_366, %get3A_367, %get3A_368] : memref<4x64x36xi32, #tpu.memory_space<smem>>
    %ge3A_370 = vector.broadcast %get3A_365 : i32 to vector<32x1xi32>
    %ge3A_371 = arith.cmpi sge, %iota3A, %ge3A_370 : vector<32x1xi32>
    %lt3A_372 = vector.broadcast %get3A_369 : i32 to vector<32x1xi32>
    %lt3A_373 = arith.cmpi slt, %iota3A, %lt3A_372 : vector<32x1xi32>
    %and3A_374 = arith.andi %ge3A_371, %lt3A_373 : vector<32x1xi1>
    %jit3A_375 = arith.constant 0xFF800000 : f32
    %broadcast_in_dim3A_376 = vector.shape_cast %and3A_374 : vector<32x1xi1> to vector<32x1xi1>
    %broadcast_in_dim3A_377 = vector.broadcast %broadcast_in_dim3A_376 : vector<32x1xi1> to vector<32x5376xi1>
    %broadcast_in_dim3A_378 = vector.broadcast %jit3A_375 : f32 to vector<32x5376xf32>
    %select_n3A_379 = arith.select %broadcast_in_dim3A_377, %concatenate3A, %broadcast_in_dim3A_378 : vector<32x5376xi1>, vector<32x5376xf32>
    %reduce_max3A_380 = arith.constant dense<0xFF800000> : vector<5376xf32>
    %reduce_max3A_381 = vector.multi_reduction <maximumf>, %select_n3A_379, %reduce_max3A_380 [0] : vector<32x5376xf32> to vector<5376xf32>
    %gt3A_382 = arith.constant 0 : i32
    %gt3A_383 = arith.cmpi sgt, %get3A_178, %gt3A_382 : i32
    %jit3A_384 = arith.constant 0.000000e+00 : f32
    %broadcast_in_dim3A_385 = vector.broadcast %jit3A_384 : f32 to vector<5376xf32>
    %select_n3A_386 = arith.select %gt3A_383, %reduce_max3A_381, %broadcast_in_dim3A_385 : vector<5376xf32>
    %swap3A_387 = arith.constant 0 : index
    %swap3A_388 = arith.constant 0 : index
    %swap3A_389 = arith.constant 6 : index
    %swap3A_390 = arith.constant 0 : index
    %swap3A_391 = vector.load %arg4[%swap3A_387, %swap3A_388, %swap3A_389, %swap3A_390] : memref<1x1x7x5376xf32, #tpu.memory_space<vmem>>, vector<1x1x1x5376xf32>
    %swap3A_392 = vector.shape_cast %swap3A_391 : vector<1x1x1x5376xf32> to vector<5376xf32>
    %swap3A_393 = vector.shape_cast %select_n3A_386 : vector<5376xf32> to vector<1x1x1x5376xf32>
    tpu.vector_store %arg4[%swap3A_387, %swap3A_388, %swap3A_389, %swap3A_390], %swap3A_393 {strides = array<i32>} : memref<1x1x7x5376xf32, #tpu.memory_space<vmem>>, vector<1x1x1x5376xf32>,
    return
  }
  func.func @transform_0(%arg0: i32, %arg1: i32, %arg2: memref<4x64x36xi32, #tpu.memory_space<smem>>) -> (i32, i32, i32, i32) {
    %c0_i32 = arith.constant 0 : i32
    %c0_i32_0 = arith.constant 0 : i32
    %c0_i32_1 = arith.constant 0 : i32
    %c0_i32_2 = arith.constant 0 : i32
    return %arg0, %c0_i32, %c0_i32_0, %c0_i32_1 : i32, i32, i32, i32
  }
  func.func @transform_1(%arg0: i32, %arg1: i32, %arg2: memref<4x64x36xi32, #tpu.memory_space<smem>>) -> (i32, i32, i32, i32) {
    %c0_i32 = arith.constant 0 : i32
    %c0_i32_0 = arith.constant 0 : i32
    %c0_i32_1 = arith.constant 0 : i32
    return %arg0, %arg1, %c0_i32, %c0_i32_0 : i32, i32, i32, i32
  }
}

</mosaic_0001>

<sc_bundles>
// kernel: sparse-core-data-format-call.cloned.1.call-start
scs
called_computation_lowered:
.L_overlay_start_0:
0x0: {  	s2 =	sld [smem:$0x3FD9]  }
0x1: {  	s3 =	sld [smem:$0x3FFE];
	_ =	sdelay $0x1  }
0x2: {  	s1 =	srdreg.scid  }
0x3: {  	s0 =	sand.u32 $0x1, s1  }
0x4: {  	s18 =	sshll.u32 s0, $0xA;
	s2 =	sadd.s32 s3, s2  }
0x5: {  	s2 =	sadd.s32 s2, s18  }
0x6: {  	[smem:$0x3FC6] =	sst s2  }
0x7: {  	_ = 	snop  }
0x8: {  	s2 =	sld [smem:$0x3FD0];
	(tm) =	ssettm $0x1  }
0x9: {  	s19 =	sld [smem:$0x3FFB];
	_ =	sdelay $0x3  }
0xa: {  	_ =	strace s19  }
0xb: {  	s3 =	sld [smem:$0x3FFC];
	_ =	sdelay $0x3  }
0xc: {  	_ =	strace s3  }
0xd: {  	s3 =	sld [smem:$0x3FFD];
	_ =	sdelay $0x3  }
0xe: {  	_ =	strace s3  }
0xf: {  	_ =	strace $0x8FFFFFFF  }
0x10: {  	s20 =	sld [smem:$0x3FDB];
	_ =	sdelay $0x1  }
0x11: {  	s4 =	simm.s32 $_scs_section_size  }
0x12: {  	s5 =	simm.s32 $_size__tile_overlayer_lowered;
	s6 =	simm.s32 $_tile_overlayer_lowered  }
0x13: {  	s23 =	simm.s32 $0x1BFF;
	s22 =	sshll.u32 s6, $0x1;
	s3 =	sadd.s32 s4, s20  }
0x14: {  	s7 =	simm.s32 $0x0;
	s21 =	sshll.u32 s5, $0x1;
	s5 =	sadd.s32 s22, s3  }
0x15: {  	[timem:s7], [sflag:s23] =	dma.local [hbm:s5], s21  }
0x16: {  	_ =	swait.ge [sflag:s23], s21  }
0x17: {  	s4 =	ssub.s32 $0x0, s21;
	[sflag:s23] =	ssyncset.done $0x0  }
0x18: {  	[sflag:s23] =	ssyncadd.s32 s4;
	_ =	sdelay $0x1  }
0x19: {  	s24 =	simm.s32 $0x1B8B  }
0x1a: {  	_ =	swait.ge [sflag:s24], $0x1  }
0x1b: {  	[sflag:s24] =	ssyncset.done $0x0  }
0x1c: {  	s26 =	simm.s32 $0x1B8E;
	s25 =	sld [smem:$0x3FFE];
	[sflag:s24] =	ssyncadd.s32 $0xFFFFFFFF  }
0x1d: {  	s27 =	simm.s32 $execute0_lowered;
	[smem:$0x3FD2] =	sst s26  }
0x1e: {  	s5 =	sshll.u32 s27, $0x1;
	_ =	strace $0x80000046;
	[dreg:$0x1] =	wrdreg $0xFFFFFFFF  }
0x1f: {  	s28 =	simm.s32 $_size_execute0_lowered;
	s3 =	sadd.s32 s3, s5;
	[dreg:$0x0] =	wrdreg $0x0  }
0x20: {  	s5 =	sshll.u32 s28, $0x1;
	[dreg:$0x2] =	wrdreg s3  }
0x21: {  	[dreg:$0x3] =	wrdreg s5  }
0x22: {  	[dreg:$0x4] =	wrdreg $0xC0  }
0x23: {  	_ =	task [dreg:s7], $0x5FFFF  }
0x24: {  	[dreg:$0x1] =	wrdreg $0xFFFFFFFF  }
0x25: {  	[dreg:$0x0] =	wrdreg $0x60  }
0x26: {  	[dreg:$0x2] =	wrdreg s25  }
0x27: {  	[dreg:$0x3] =	wrdreg s2  }
0x28: {  	[dreg:$0x4] =	wrdreg $0x9  }
0x29: {  	_ =	task.clear_ibuf [dreg:s7], $0x5FFFF;
	_ =	strace $0x90000046  }
0x2a: {  	s29 =	simm.s32 $0x9;
	_ =	strace $0x80000048  }
0x2b: {  	_ =	swait.ge [sflag:s29], $0x1  }
0x2c: {  	[sflag:s29] =	ssyncadd.s32 $0xFFFFFFFF  }
0x2d: {  	_ =	strace $0x90000048  }
0x2e: {  	_ =	sfence  }
0x2f: {  	s30 =	sld [smem:$0x0];
	_ =	sdelay $0x2  }
0x30: {  	s31 =	sshll.u32 s1, $0xD;
	s1 =	sshrl.u32 s1, $0x2  }
0x31: {  	s3 =	sand.u32 $0x4000, s31;
	s1 =	sadd.s32 s1, s30  }
0x32: {  	s0 =	sor.u32 s3, s0;
	s1 =	sshll.u32 s1, $0x11  }
0x33: {  	s0 =	sor.u32 s1, s0  }
0x34: {  	s0 =	sadd.s32 $0x8F2B, s0  }
0x35: {  	[sflag:s0] =	ssyncadd.remote.s32 $0x1  }
0x36: {  	_ =	sfence.sel $0xFFFF  }
0x37: {  	[dreg:$0x0] =	wrdreg $0xFFFFFFFF;
	(pc) =	sbr.abs _section_cstart, $3  }
0x38: {  	[dreg:$0x1] =	wrdreg $0xFFFFFFFF  }
0x39: {  	_ =	task.clear_ibuf [dreg:s7], $0x2FFFF;
	_ =	strace $0x9FFFFFFF  }
0x3a: {  	(tm) =	ssettm $0x7FFFFFFF  }
0x3b: {  	_ =	shalt  }
tec
execute0_lowered:
.L_overlay_start_1:
0x0: {  	(tag) =	ssettag $0x1  }
0x1: {  	s0 =	stileid.u32;
	s8 =	rddreg [dreg:$0x0]  }
0x2: {  	s4 =	srdreg.scid;
	s9 =	simm.s32 $0x2;
	s1 =	sshll.u32 s0, $0x1  }
0x3: {  	s21 =	simm.s32 $0x0;
	s11 =	simm.s32 $0x1800;
	s1 =	sand.u32 $0x2, s1  }
0x4: {  	s12 =	simm.s32 $0x0;
	s19 =	simm.s32 $0x0;
	s2 =	ssub.s32 $0x4, s1  }
0x5: {  	s20 =	simm.s32 $0x0;
	s23 =	simm.s32 $0x0;
	s5 =	sshrl.u32 s2, $0x1  }
0x6: {  	s3 =	sshrl.u32 s0, $0x1;
	s2 =	sshrl.u32 s2, $0x2;
	s5 =	sand.u32 $0x1, s5  }
0x7: {  	s4 =	sand.u32 $0x1, s4;
	p0 =	seq.s32 s3, $0x7;
	s6 =	sadd.s32 s2, s5  }
0x8: {  	s22 =	simm.s32 $0x0;
	s7 =	ssub.s32 $0x4, s4;
	s6 =	simm.s32 @p0 $0x0  }
0x9: {  	s13 =	simm.s32 $0x0;
	s16 =	simm.s32 $0x0;
	s7 =	smul.u32 s6, s7  }
.Ltmp0:
0xa: {  	s18 =	simm.s32 $0x0;
	s5 =	rddreg [dreg:$0x1];
	(pc) =	sbr.rel .LBB1_1-.Ltmp0, $4  }
0xb: {  	s8 =	sadd.s32 $0x150000, s8;
	s14 =	smov.u32 s4;
	s2 =	rddreg [dreg:$0x2]  }
0xc: {  	_ =	strace $0x80000047;
	s6 =	simm.s32 $0x1;
	s7 =	smul.u32 $0x6, s7  }
0xd: {  	s15 =	smov.u32 s3;
	s17 =	smov.u32 s1;
	[sflag:s6] =	ssyncpa.u1 $0x0  }
0xe: {  	[sflag:s9] =	ssyncpa.u1 $0x0;
	s9 =	sadd.s32 $0x49800, s5;
	s10 =	sor.u32 $0x1, s7  }
.LBB1_7:
0xf: {  	s24 =	sadd.s32 $0x80, s13  }
0x10: {  	s19 =	sadd.s32 $0x2, s14;
	s25 =	smov.u32 s14;
	p1 =	sgt.s32 s24, $0x2FF  }
0x11: {  	s25 =	smov.u32 @p1 s19  }
0x12: {  	s26 =	smov.u32 s15;
	s19 =	sadd.s32 $0x8, s15;
	p2 =	sgt.s32 s25, $0x6  }
0x13: {  	s26 =	smov.u32 @p2 s19  }
0x14: {  	s27 =	smov.u32 s16;
	s19 =	sadd.s32 $0x40, s16;
	p3 =	sgt.s32 s26, $0x6  }
0x15: {  	p0 =	slt.u32 s18, $0x2;
	s28 =	smov.u32 s17;
	s27 =	smov.u32 @p3 s19  }
0x16: {  	s21 =	smov.u32 s13;
	s19 =	sadd.s32 $0x4, s17;
	p4 =	sgt.s32 s27, $0x3F  }
0x17: {  	s20 =	smov.u32 s15;
	s23 =	smov.u32 s16;
	s28 =	smov.u32 @p4 s19  }
0x18: {  	s22 =	smov.u32 s17;
	s24 =	simm.s32 @p1 $0x0;
	p1 =	sgt.s32 s28, $0x3  }
0x19: {  	s29 =	simm.s32 @!p0 $0x2;
	s28 =	smov.u32 @p1 s1;
	p1 =	sne.s32 s18, s10  }
.Ltmp1:
0x1a: {  	s12 =	sadd.s32 $0x4000, s12;
	_ =	swait.ge @!p0 [sflag:s29], $0x4000;
	(pc) =	sbr.rel @!p1 .LBB1_8-.Ltmp1, $4  }
0x1b: {  	[sflag:s29] =	ssyncset.done @!p0 $0x0;
	s13 =	smov.u32 s24;
	s26 =	smov.u32 @p3 s3  }
0x1c: {  	s25 =	smov.u32 @p2 s4;
	[sflag:s29] =	ssyncadd.s32 @!p0 $0xFFFFC000;
	s15 =	smov.u32 s26  }
0x1d: {  	s27 =	simm.s32 @p4 $0x0;
	s19 =	smov.u32 s14;
	s14 =	smov.u32 s25  }
0x1e: {  	s16 =	smov.u32 s27;
	s18 =	sadd.s32 $0x1, s18;
	s17 =	smov.u32 s28  }
.LBB1_1:
0x1f: {  	p0 =	sge.u32 s18, s7  }
0x20: {  	s24 =	sshrl.u32 @!p0 s14, $0x3  }
0x21: {  	s25 =	sshll.u32 @!p0 s13, $0x3;
	s24 =	smul.u32 @!p0 $0x1800, s24  }
0x22: {  	s26 =	sshll.u32 @!p0 s14, $0x7;
	s25 =	sand.u32 @!p0 $0xFFFFFC00, s25  }
0x23: {  	s24 =	sadd.s32 @!p0 s24, s25;
	s25 =	sand.u32 @!p0 $0x380, s26  }
0x24: {  	s28 =	smul.u32 @!p0 $0x54000, s17;
	s26 =	sand.u32 @!p0 $0x7F, s13;
	s24 =	sor.u32 @!p0 s25, s24  }
0x25: {  	s29 =	smul.u32 @!p0 $0x1500, s16;
	s25 =	sor.u32 @!p0 s26, s24  }
0x26: {  	s26 =	smulhi.u32 @!p0 $0xAAAAAAAB, s25  }
0x27: {  	s24 =	smulhi.u32 @!p0 $0xAAAAAAAB, s24  }
0x28: {  	s31 =	sadd.s32 $0xFFFFFFFF, s18;
	s30 =	smul.u32 @!p0 $0x300, s15;
	s26 =	sshrl.u32 @!p0 s26, $0x9  }
0x29: {  	s27 =	sxor.u32 @!p0 $0xFFFFFFFF, s18;
	s24 =	sshrl.u32 @!p0 s24, $0x9;
	s26 =	smul.u32 @!p0 $0x300, s26  }
0x2a: {  	s27 =	sshll.u32 @!p0 s27, $0xE;
	s28 =	sadd.s32 @!p0 s8, s28;
	s24 =	sand.u32 @!p0 $0x7, s24  }
0x2b: {  	s24 =	smul.u32 @!p0 $0x60, s24;
	s25 =	ssub.s32 @!p0 s25, s26;
	s26 =	sadd.s32 @!p0 s29, s28  }
0x2c: {  	s27 =	sand.u32 @!p0 $0x4000, s27;
	s26 =	sadd.s32 @!p0 s30, s26;
	s28 =	sand.u32 @!p0 $0x7, s25  }
0x2d: {  	s25 =	sshrl.u32 @!p0 s25, $0x3;
	s24 =	sadd.s32 @!p0 s24, s26;
	s26 =	sshll.u32 @!p0 s28, $0x12  }
0x2e: {  	s24 =	sadd.s32 @!p0 s25, s24;
	s25 =	sor.u32 @!p0 $0x80, s26;
	s26 =	simm.s32 @!p0 $0xA800  }
0x2f: {  	[tilespmem:s27], [sflag:$0x1] =	stream.strided.gather @!p0 [hbm4b:s24+s25], $0x4000, s26, s25, $0x38;
	[tilespmem:$0x10000] =	vst v63  }
0x30: {  	p0 =	sge.u32 s31, s7  }
.Ltmp2:
0x31: {  	_ = 	snop;
	(pc) =	sbr.rel @p0 .LBB1_7-.Ltmp2, $1  }
0x32: {  	_ =	sdelay $0x3  }
0x33: {  	s24 =	sshll.u32 s12, $0x2;
	_ =	swait.ge [sflag:s6], $0x4000;
	s25 =	sshll.u32 s18, $0xE  }
0x34: {  	s28 =	simm.s32 $0x0;
	p1 =	por $0x1, $0x1;
	s26 =	sand.u32 $0x10000, s24  }
0x35: {  	[sflag:s6] =	ssyncset.done $0x0;
	s24 =	sand.u32 $0x4000, s25;
	s26 =	sshrl.u32 s26, $0x2  }
0x36: {  	[sflag:s6] =	ssyncadd.s32 $0xFFFFC000;
	s25 =	sor.u32 $0x8000, s24;
	s27 =	sadd.s32 $0x8040, s26  }
.LBB1_3:
0x37: {  	s28 =	sshll.u32 s28, $0x2  }
0x38: {  	s29 =	sshra.s32 s28, $0x2  }
0x39: {  	s28 =	sadd.s32 s29, s26  }
0x3a: {  	v1 =	vmov s28;
	_ =	sdelay $0x3  }
0x3b: {  	s28 =	simm.s32 $0x0  }
0x3c: {  	s29 =	sadd.s32 s29, s27;
	v7 =	vld.idx.msk [tilespmem:v1+s28+$0x70 ss:$0x1], $0xffff  }
0x3d: {  	v0 =	vmov s29;
	v8 =	vld.idx.msk [tilespmem:v1+s28+$0x0 ss:$0x1], $0xffff  }
0x3e: {  	v6 =	vld.idx.msk [tilespmem:v1+s28+$0x10 ss:$0x1], $0xffff  }
0x3f: {  	v5 =	vld.idx.msk [tilespmem:v1+s28+$0x20 ss:$0x1], $0xffff  }
0x40: {  	v4 =	vld.idx.msk [tilespmem:v1+s28+$0x30 ss:$0x1], $0xffff  }
0x41: {  	v2 =	vld.idx.msk [tilespmem:v1+s28+$0x40 ss:$0x1], $0xffff  }
0x42: {  	v3 =	vld.idx.msk [tilespmem:v1+s28+$0x50 ss:$0x1], $0xffff;
	[tilespmem:v0+s28+$0x30 ss:$0x1] =	vst.idx.msk $0xffff, v7  }
0x43: {  	p0 =	por p1, p1;
	s30 =	simm.s32 $0x400;
	s29 =	simm.s32 $0x80;
	[tilespmem:v0+s28+$0xFFFFFFC0 ss:$0x1] =	vst.idx.msk $0xffff, v8;
	v7 =	vld.idx.msk [tilespmem:v1+s28+$0x60 ss:$0x1], $0xffff  }
.LBB1_4:
0x44: {  	p1 =	sne.s32 s30, $0x7E00;
	v8 =	vld.idx.msk [tilespmem:v1+s29+$0x70 ss:$0x1], $0xffff;
	[tilespmem:v0+s28+$0xFFFFFFD0 ss:$0x1] =	vst.idx.msk $0xffff, v6  }
0x45: {  	v9 =	vld.idx.msk [tilespmem:v1+s29+$0x0 ss:$0x1], $0xffff;
	[tilespmem:v0+s28+$0xFFFFFFE0 ss:$0x1] =	vst.idx.msk $0xffff, v5  }
0x46: {  	v6 =	vld.idx.msk [tilespmem:v1+s29+$0x10 ss:$0x1], $0xffff;
	[tilespmem:v0+s28+$0xFFFFFFF0 ss:$0x1] =	vst.idx.msk $0xffff, v4  }
.Ltmp3:
0x47: {  	v5 =	vld.idx.msk [tilespmem:v1+s29+$0x20 ss:$0x1], $0xffff;
	[tilespmem:v0+s28+$0x0 ss:$0x1] =	vst.idx.msk $0xffff, v2;
	(pc) =	sbr.rel @p1 .LBB1_4-.Ltmp3, $4  }
0x48: {  	v4 =	vld.idx.msk [tilespmem:v1+s29+$0x30 ss:$0x1], $0xffff;
	[tilespmem:v0+s28+$0x10 ss:$0x1] =	vst.idx.msk $0xffff, v3  }
0x49: {  	v2 =	vld.idx.msk [tilespmem:v1+s29+$0x40 ss:$0x1], $0xffff;
	[tilespmem:v0+s28+$0x20 ss:$0x1] =	vst.idx.msk $0xffff, v7;
	s28 =	smov.u32 s29  }
0x4a: {  	v3 =	vld.idx.msk [tilespmem:v1+s28+$0x50 ss:$0x1], $0xffff;
	[tilespmem:v0+s28+$0x30 ss:$0x1] =	vst.idx.msk $0xffff, v8  }
0x4b: {  	s29 =	sshra.s32 s30, $0x2;
	s30 =	sadd.s32 $0x200, s30;
	[tilespmem:v0+s28+$0xFFFFFFC0 ss:$0x1] =	vst.idx.msk $0xffff, v9;
	v7 =	vld.idx.msk [tilespmem:v1+s28+$0x60 ss:$0x1], $0xffff  }
0x4c: {  	_ =	sdelay $0x3  }
0x4d: {  	[tilespmem:v0+s28+$0xFFFFFFD0 ss:$0x1] =	vst.idx.msk $0xffff, v6  }
0x4e: {  	v56 =	vld.idx.msk [tilespmem:v1+s29+$0x70 ss:$0x1], $0xffff;
	[tilespmem:v0+s28+$0xFFFFFFE0 ss:$0x1] =	vst.idx.msk $0xffff, v5  }
0x4f: {  	v57 =	vld.idx.msk [tilespmem:v1+s29+$0x0 ss:$0x1], $0xffff;
	[tilespmem:v0+s28+$0xFFFFFFF0 ss:$0x1] =	vst.idx.msk $0xffff, v4  }
0x50: {  	v58 =	vld.idx.msk [tilespmem:v1+s29+$0x10 ss:$0x1], $0xffff;
	[tilespmem:v0+s28+$0x0 ss:$0x1] =	vst.idx.msk $0xffff, v2  }
0x51: {  	v59 =	vld.idx.msk [tilespmem:v1+s29+$0x20 ss:$0x1], $0xffff;
	[tilespmem:v0+s28+$0x10 ss:$0x1] =	vst.idx.msk $0xffff, v3  }
0x52: {  	v60 =	vld.idx.msk [tilespmem:v1+s29+$0x30 ss:$0x1], $0xffff;
	[tilespmem:v0+s28+$0x20 ss:$0x1] =	vst.idx.msk $0xffff, v7  }
0x53: {  	v61 =	vld.idx.msk [tilespmem:v1+s29+$0x40 ss:$0x1], $0xffff;
	[tilespmem:v0+s29+$0x30 ss:$0x1] =	vst.idx.msk $0xffff, v56  }
0x54: {  	v62 =	vld.idx.msk [tilespmem:v1+s29+$0x50 ss:$0x1], $0xffff;
	[tilespmem:v0+s29+$0xFFFFFFC0 ss:$0x1] =	vst.idx.msk $0xffff, v57  }
0x55: {  	v63 =	vld.idx.msk [tilespmem:v1+s29+$0x60 ss:$0x1], $0xffff;
	[tilespmem:v0+s29+$0xFFFFFFD0 ss:$0x1] =	vst.idx.msk $0xffff, v58  }
.Ltmp4:
0x56: {  	[tilespmem:v0+s29+$0xFFFFFFE0 ss:$0x1] =	vst.idx.msk $0xffff, v59;
	(pc) =	sbr.rel @p0 .LBB1_3-.Ltmp4, $4  }
0x57: {  	[tilespmem:v0+s29+$0xFFFFFFF0 ss:$0x1] =	vst.idx.msk $0xffff, v60  }
0x58: {  	[tilespmem:v0+s29+$0x0 ss:$0x1] =	vst.idx.msk $0xffff, v61  }
0x59: {  	[tilespmem:v0+s29+$0x10 ss:$0x1] =	vst.idx.msk $0xffff, v62  }
0x5a: {  	p1 =	por $0x0, $0x0;
	s28 =	simm.s32 $0x2000;
	[tilespmem:v0+s29+$0x20 ss:$0x1] =	vst.idx.msk $0xffff, v63  }
0x5b: {  	s26 =	sshrl.u32 s23, $0x3  }
0x5c: {  	s27 =	sshll.u32 s21, $0x3;
	s26 =	smul.u32 $0x1800, s26  }
0x5d: {  	s30 =	sshll.u32 s23, $0x7;
	s27 =	sand.u32 $0xFFFFFC00, s27  }
0x5e: {  	s23 =	sand.u32 $0x380, s30;
	s26 =	sadd.s32 s26, s27  }
0x5f: {  	s31 =	sand.u32 $0x7F, s21;
	s22 =	smul.u32 $0x49800, s22;
	s23 =	sor.u32 s23, s26  }
0x60: {  	s20 =	smul.u32 $0xA800, s20;
	s21 =	sor.u32 s31, s23  }
0x61: {  	s27 =	smulhi.u32 $0xAAAAAAAB, s21  }
0x62: {  	s23 =	smulhi.u32 $0xAAAAAAAB, s23  }
0x63: {  	s19 =	smul.u32 $0x1800, s19;
	s28 =	sadd.s32 s5, s22;
	s26 =	sshrl.u32 s27, $0x9  }
0x64: {  	s22 =	sadd.s32 s22, s9;
	s23 =	sshrl.u32 s23, $0x9;
	s26 =	smul.u32 $0x300, s26  }
0x65: {  	s29 =	sadd.s32 s20, s28;
	s20 =	sadd.s32 s20, s22;
	s23 =	sand.u32 $0x3F, s23  }
0x66: {  	s23 =	smul.u32 $0x60, s23;
	s21 =	ssub.s32 s21, s26;
	s26 =	sadd.s32 s19, s29  }
0x67: {  	s19 =	sadd.s32 s19, s20;
	s30 =	sand.u32 $0x7, s21;
	s21 =	sshrl.u32 s21, $0x3  }
.Ltmp5:
0x68: {  	s26 =	sadd.s32 s23, s26;
	s27 =	sshll.u32 s30, $0x12;
	(pc) =	sbr.rel .LBB1_7-.Ltmp5, $4  }
0x69: {  	s19 =	sadd.s32 s23, s19;
	s26 =	sadd.s32 s21, s26;
	s27 =	sor.u32 $0x400, s27  }
0x6a: {  	[hbm4b:s26+s27] =	stream.strided.scatter [tilespmem:s25], [sflag:$0x2], $0x2000, s11, s27, $0x38;
	[tilespmem:$0x10000] =	vst v63  }
0x6b: {  	s31 =	sadd.s32 $0xA000, s24;
	s19 =	sadd.s32 s21, s19  }
0x6c: {  	[hbm4b:s19+s27] =	stream.strided.scatter [tilespmem:s31], [sflag:$0x2], $0x2000, s11, s27, $0x38;
	[tilespmem:$0x10000] =	vst v63  }
.LBB1_8:
0x6d: {  	_ =	sfence.sel $0x180000  }
0x6e: {  	s1 =	simm.s32 $0x1;
	[bflag:$0x0] =	sbarrier.arrive $0xFFFF  }
0x6f: {  	s31 =	simm.s32 $0x2;
	[sflag:s1] =	ssyncpa.u1 $0x1  }
0x70: {  	[sflag:s31] =	ssyncpa.u1 $0x1  }
0x71: {  	p0 =	sne.s32 s0, $0x0;
	_ =	strace $0x90000047  }
0x72: {  	s0 =	sadd.s32 @!p0 $0x100000, s2;
	[bflag:$0x2] =	sbarrier.arrive $0xFFFF  }
0x73: {  	[sflag:s0] =	ssyncadd.tile.s32 @!p0 $0x1;
	_ =	shalt  }
.Lfunc_end1:
_tile_overlayer_lowered:
.L_overlay_start_2:
0x74: {  	(tag) =	ssettag $0x2  }
0x75: {  	s0 =	rddreg [dreg:$0x0];
	s2 =	stileid.u32  }
0x76: {  	s1 =	rddreg [dreg:$0x1];
	p0 =	sne.s32 s2, $0x0  }
0x77: {  	s3 =	rddreg [dreg:$0x2];
	[bflag:$0x3] =	sbarrier.arrive $0xFFFF;
	s2 =	simm.s32 @!p0 $0x1C01  }
0x78: {  	[timem:s3], [sflag:s2] =	dma.local @!p0 [hbm:s0], s1  }
0x79: {  	s0 =	simm.s32 @!p0 $0x1  }
0x7a: {  	_ =	swait.ge @!p0 [sflag:s0], s1  }
0x7b: {  	s1 =	ssub.s32 @!p0 $0x0, s1;
	[sflag:s0] =	ssyncset.done @!p0 $0x0  }
0x7c: {  	[sflag:s0] =	ssyncadd.s32 @!p0 s1  }
0x7d: {  	[bflag:$0x3] =	sbarrier.arrive $0xFFFF  }
0x7e: {  	_ =	shalt  }

</sc_bundles>
